<compile_context>
chip_gen: v7x
topology: tpu7x:2x2x1
jax: 0.10.2.dev20260603
libtpu: 0.0.44.dev20260713+nightly
codegen_flags: <defaults>
</compile_context>

<pallas_src>
import functools

import jax
import jax.numpy as jnp
from jax import lax
from jax.experimental import pallas as pl
from jax.experimental.pallas import tpu as pltpu
from jax.experimental.pallas import tpu_sc as plsc

B, T, A = 4096, 50, 3
H, D, N, K = 256, 32, 4, 8192
FLAT = T * A
CC = 0.25
BT = 256
BTE = 512


def _silu(x):
    return x * jax.nn.sigmoid(x)


def _mm_bf16(a, b):
    return jnp.dot(a.astype(jnp.bfloat16), b.astype(jnp.bfloat16),
                   preferred_element_type=jnp.float32)


def _mm_f32(a, b):
    return jnp.dot(a, b, preferred_element_type=jnp.float32)


def _enc_kernel(x_ref, We1_ref, be1_ref, We2_ref, be2_ref, We3_ref, be3_ref,
                cbT_ref, enc_ref, idx_ref):
    x = x_ref[...]
    h = _silu(_mm_bf16(x, We1_ref[...]) + be1_ref[...])
    h = _silu(_mm_bf16(h, We2_ref[...]) + be2_ref[...])
    enc = _mm_bf16(h, We3_ref[...]) + be3_ref[...]
    enc_ref[...] = enc

    cbT = cbT_ref[...]
    cn = jnp.sum(cbT * cbT, axis=0, keepdims=True)
    KH = K // 2
    iota_h = jax.lax.broadcasted_iota(jnp.int32, (1, KH), 1)

    idxs = []
    for n in range(N):
        fln = enc[:, n * D:(n + 1) * D]
        ln = jnp.sum(fln * fln, axis=1, keepdims=True)
        m = _mm_f32(fln, cbT)
        dist = (ln + cn) - 2.0 * m
        dA = dist[:, :KH]
        dB = dist[:, KH:]
        mnA = jnp.min(dA, axis=1, keepdims=True)
        amA = jnp.min(jnp.where(dA == mnA, iota_h, K), axis=1, keepdims=True)
        mnB = jnp.min(dB, axis=1, keepdims=True)
        amB = jnp.min(jnp.where(dB == mnB, iota_h, K), axis=1,
                      keepdims=True) + KH
        accA = mnA.astype(jnp.bfloat16).astype(jnp.float32)
        idxs.append(jnp.where(mnB < accA, amB, amA))

    idx_ref[...] = jnp.concatenate(idxs, axis=1)


def _dec_kernel(x_ref, enc_ref, quant_ref, Wd1_ref, bd1_ref, Wd2_ref,
                bd2_ref, Wd3_ref, bd3_ref, recon_ref, vq_ref, rec_ref):
    quant = quant_ref[...]
    diff = quant - enc_ref[...]
    vq_ref[...] = jnp.broadcast_to(jnp.sum(diff * diff), (1, 1, 128))

    dec = _silu(_mm_bf16(quant, Wd1_ref[...]) + bd1_ref[...])
    dec = _silu(_mm_bf16(dec, Wd2_ref[...]) + bd2_ref[...])
    recon = _mm_bf16(dec, Wd3_ref[...]) + bd3_ref[...]
    recon_ref[...] = recon
    rdiff = recon - x_ref[...]
    rec_ref[...] = jnp.broadcast_to(jnp.sum(rdiff * rdiff), (1, 1, 128))


GW = 128


def _sc_gather(table_padded, idx_flat):
    info = plsc.get_sparse_core_info()
    nw = info.num_cores * info.num_subcores
    rows = B * N
    b_per_w = rows // nw
    mesh = plsc.VectorSubcoreMesh(core_axis_name="c", subcore_axis_name="s")

    @functools.partial(
        pl.kernel, mesh=mesh,
        out_type=jax.ShapeDtypeStruct((rows, GW), jnp.float32),
        scratch_types=[
            pltpu.VMEM((b_per_w,), jnp.int32),
            pltpu.VMEM((b_per_w, GW), jnp.float32),
            pltpu.SemaphoreType.DMA,
        ],
    )
    def k(table_hbm, idx_hbm, out_hbm, idx_v, rows_v, sem):
        wid = lax.axis_index("s") * info.num_cores + lax.axis_index("c")
        base = wid * b_per_w
        pltpu.sync_copy(idx_hbm.at[pl.ds(base, b_per_w)], idx_v)
        pltpu.async_copy(table_hbm.at[idx_v], rows_v, sem).wait()
        pltpu.sync_copy(rows_v, out_hbm.at[pl.ds(base, b_per_w)])

    return k(table_padded, idx_flat)


def kernel(actions, We1, be1, We2, be2, We3, be3, codebook, Wd1, bd1, Wd2,
           bd2, Wd3, bd3):
    x2d = actions.reshape(B, FLAT)
    cbT = codebook.T
    row = lambda v: v.reshape(1, -1)
    full = lambda shape: pl.BlockSpec(shape, lambda i: (0, 0))
    grid = (B // BT,)

    enc, idx = pl.pallas_call(
        _enc_kernel,
        grid=(B // BTE,),
        in_specs=[
            pl.BlockSpec((BTE, FLAT), lambda i: (i, 0)),
            full((FLAT, H)), full((1, H)),
            full((H, H)), full((1, H)),
            full((H, N * D)), full((1, N * D)),
            full((D, K)),
        ],
        out_specs=[
            pl.BlockSpec((BTE, N * D), lambda i: (i, 0)),
            pl.BlockSpec((BTE, N), lambda i: (i, 0)),
        ],
        out_shape=[
            jax.ShapeDtypeStruct((B, N * D), jnp.float32),
            jax.ShapeDtypeStruct((B, N), jnp.int32),
        ],
        compiler_params=pltpu.CompilerParams(
            dimension_semantics=("parallel",)),
    )(x2d, We1, row(be1), We2, row(be2), We3, row(be3), cbT)

    cb_pad = jnp.pad(codebook, ((0, 0), (0, GW - D)))
    gathered = _sc_gather(cb_pad, idx.reshape(B * N))
    quant = gathered[:, :D]

    recon2d, vq_sum, rec_sum = pl.pallas_call(
        _dec_kernel,
        grid=grid,
        in_specs=[
            pl.BlockSpec((BT, FLAT), lambda i: (i, 0)),
            pl.BlockSpec((BT, N * D), lambda i: (i, 0)),
            pl.BlockSpec((BT, N * D), lambda i: (i, 0)),
            full((N * D, H)), full((1, H)),
            full((H, H)), full((1, H)),
            full((H, FLAT)), full((1, FLAT)),
        ],
        out_specs=[
            pl.BlockSpec((BT, FLAT), lambda i: (i, 0)),
            pl.BlockSpec((1, 1, 128), lambda i: (i, 0, 0)),
            pl.BlockSpec((1, 1, 128), lambda i: (i, 0, 0)),
        ],
        out_shape=[
            jax.ShapeDtypeStruct((B, FLAT), jnp.float32),
            jax.ShapeDtypeStruct((B // BT, 1, 128), jnp.float32),
            jax.ShapeDtypeStruct((B // BT, 1, 128), jnp.float32),
        ],
        compiler_params=pltpu.CompilerParams(
            dimension_semantics=("parallel",)),
    )(x2d, enc, quant.reshape(B, N * D),
      Wd1, row(bd1), Wd2, row(bd2), Wd3, row(bd3))

    cl = jnp.sum(vq_sum[:, 0, 0]) / (B * N * D)
    vq_loss = cl + CC * cl
    recon_loss = jnp.sum(rec_sum[:, 0, 0]) / (B * T * A)
    loss = recon_loss + vq_loss
    return (recon2d.reshape(B, T, A), idx, vq_loss, recon_loss, loss)

# --- scband reference (transcript-rebuilt; emitter-appended) ---
"""Pipeline reference for scband-action-tokenizer-601295421906 (READ-ONLY COPY).

The authoritative reference and input builder live on the scoring server;
editing this copy changes nothing except your own understanding.
"""

import jax, jax.numpy as jnp
import numpy as np

B, T, A = 4096, 50, 3
H, D, N, K = 256, 32, 4, 8192
FLAT = T * A
CC = 0.25

def silu(x):
    return x * jax.nn.sigmoid(x)

def setup_inputs(seed: int = 0):
    key = jax.random.key(seed)
    ks = jax.random.split(key, 8)
    def lin(k, fan_in, fan_out):
        bound = 1.0 / np.sqrt(fan_in)
        kw, kb = jax.random.split(k)
        W = jax.random.uniform(kw, (fan_in, fan_out), minval=-bound, maxval=bound, dtype=jnp.float32)
        b = jax.random.uniform(kb, (fan_out,), minval=-bound, maxval=bound, dtype=jnp.float32)
        return W, b
    actions = jax.random.normal(ks[0], (B, T, A), dtype=jnp.float32)
    We1, be1 = lin(ks[1], FLAT, H)
    We2, be2 = lin(ks[2], H, H)
    We3, be3 = lin(ks[3], H, N * D)
    codebook = jax.random.uniform(ks[4], (K, D), minval=-1.0 / K, maxval=1.0 / K, dtype=jnp.float32)
    Wd1, bd1 = lin(ks[5], N * D, H)
    Wd2, bd2 = lin(ks[6], H, H)
    Wd3, bd3 = lin(ks[7], H, FLAT)
    return {"actions": actions, "We1": We1, "be1": be1, "We2": We2, "be2": be2, "We3": We3, "be3": be3, "codebook": codebook, "Wd1": Wd1, "bd1": bd1, "Wd2": Wd2, "bd2": bd2, "Wd3": Wd3, "bd3": bd3}

def reference(actions, We1, be1, We2, be2, We3, be3, codebook, Wd1, bd1, Wd2, bd2, Wd3, bd3):
    b = actions.shape[0]
    flat = actions.reshape(b, FLAT)
    h = silu(flat @ We1 + be1)
    h = silu(h @ We2 + be2)
    enc = h @ We3 + be3
    latents = enc.reshape(b, N, D)
    fl = latents.reshape(b * N, D)
    ln = jnp.sum(fl ** 2, axis=1, keepdims=True)
    cn = jnp.sum(codebook ** 2, axis=1)[None, :]
    dist = ln + cn - 2.0 * (fl @ codebook.T)
    idx = jnp.argmin(dist, axis=1).reshape(b, N)
    quant = jnp.take(codebook, idx, axis=0)
    codebook_loss = jnp.mean((quant - jax.lax.stop_gradient(latents)) ** 2)
    commitment_loss = jnp.mean((latents - jax.lax.stop_gradient(quant)) ** 2)
    vq_loss = codebook_loss + CC * commitment_loss
    q_st = latents + jax.lax.stop_gradient(quant - latents)
    dflat = q_st.reshape(b, N * D)
    h2 = silu(dflat @ Wd1 + bd1)
    h2 = silu(h2 @ Wd2 + bd2)
    recon = (h2 @ Wd3 + bd3).reshape(b, T, A)
    recon_loss = jnp.mean((recon - actions) ** 2)
    loss = recon_loss + vq_loss
    return (recon, idx, vq_loss, recon_loss, loss)

if __name__ == "__main__":
    import jax
    _d = setup_inputs()
    print(jax.jit(kernel)(*tuple(_d.values())))

</pallas_src>

<mosaic_0001>
#map = affine_map<(d0, d1) -> (0, 0)>
#map1 = affine_map<(d0, d1) -> (0)>
module attributes {stable_mosaic.version = 14 : i64} {
  func.func @k(%arg0: i32, %arg1: i32, %arg2: memref<8192x128xf32, #tpu.memory_space<hbm>>, %arg3: memref<16384xi32, #tpu.memory_space<hbm>>, %arg4: memref<16384x128xf32, #tpu.memory_space<hbm>>, %arg5: memref<512xi32, #tpu.memory_space<vmem>>, %arg6: memref<512x128xf32, #tpu.memory_space<vmem>>, %arg7: memref<!tpu.dma_semaphore, #tpu.memory_space<semaphore_mem>>) attributes {dimension_semantics = [#tpu.dimension_semantics<core_parallel>, #tpu.dimension_semantics<subcore_parallel>], iteration_bounds = array<i64: 2, 16>, scalar_prefetch = 0 : i64, scratch_operands = 3 : i64, tpu.core_type = #tpu.core_type<sc_vector_subcore>, window_params = [{transform_indices = #map}, {transform_indices = #map1}, {transform_indices = #map}]} {
    %mul3A = arith.constant 2 : i32
    %mul3A_0 = arith.muli %arg1, %mul3A : i32
    %add3A = arith.addi %mul3A_0, %arg0 : i32
    %mul3A_1 = arith.constant 512 : i32
    %mul3A_2 = arith.muli %add3A, %mul3A_1 : i32
    "tpu.region"() ({
      %run_scoped3A = tpu.sem_alloc : memref<!tpu.dma_semaphore, #tpu.memory_space<semaphore_mem>>
      %dma_start3A_7 = tpu.memref_slice %arg3[%mul3A_2] : memref<16384xi32, #tpu.memory_space<hbm>> -> memref<512xi32, #tpu.memory_space<hbm>>
      %dma_start3A_8 = tpu.memref_slice %arg3[%mul3A_2] : memref<16384xi32, #tpu.memory_space<hbm>> -> memref<512xi32, #tpu.memory_space<hbm>>
      tpu.enqueue_dma source(%dma_start3A_8 : memref<512xi32, #tpu.memory_space<hbm>>) target(%arg5 : memref<512xi32, #tpu.memory_space<vmem>>) target_semaphore(%run_scoped3A : memref<!tpu.dma_semaphore, #tpu.memory_space<semaphore_mem>>)
      %dma_wait3A_9 = tpu.memref_slice %arg3[%mul3A_2] : memref<16384xi32, #tpu.memory_space<hbm>> -> memref<512xi32, #tpu.memory_space<hbm>>
      %dma_wait3A_10 = tpu.memref_slice %arg3[%mul3A_2] : memref<16384xi32, #tpu.memory_space<hbm>> -> memref<512xi32, #tpu.memory_space<hbm>>
      tpu.wait_dma2 semaphore(%run_scoped3A : memref<!tpu.dma_semaphore, #tpu.memory_space<semaphore_mem>>) src(%dma_wait3A_10 : memref<512xi32, #tpu.memory_space<hbm>>) dst(%arg5 : memref<512xi32, #tpu.memory_space<vmem>>)
      tpu.yield
    }) : () -> ()
    %dma_start3A = arith.constant 0 : i32
    %dma_start3A_3 = arith.constant 0 : i32
    %dma_start3A_4 = tpu.memref_slice %arg2[%dma_start3A, %dma_start3A_3] : memref<8192x128xf32, #tpu.memory_space<hbm>> -> memref<8192x128xf32, #tpu.memory_space<hbm>>
    tpu.enqueue_indirect_dma source(%dma_start3A_4 : memref<8192x128xf32, #tpu.memory_space<hbm>>) target(%arg6 : memref<512x128xf32, #tpu.memory_space<vmem>>) offsets(%arg5 : memref<512xi32, #tpu.memory_space<vmem>>) semaphore(%arg7 : memref<!tpu.dma_semaphore, #tpu.memory_space<semaphore_mem>>)
    %dma_wait3A = arith.constant 0 : i32
    %dma_wait3A_5 = arith.constant 0 : i32
    %dma_wait3A_6 = tpu.memref_slice %arg2[%dma_wait3A, %dma_wait3A_5] : memref<8192x128xf32, #tpu.memory_space<hbm>> -> memref<8192x128xf32, #tpu.memory_space<hbm>>
    tpu.wait_indirect_dma semaphore(%arg7 : memref<!tpu.dma_semaphore, #tpu.memory_space<semaphore_mem>>) src(%dma_wait3A_6 : memref<8192x128xf32, #tpu.memory_space<hbm>>) dst(%arg6 : memref<512x128xf32, #tpu.memory_space<vmem>>)
    "tpu.region"() ({
      %run_scoped3A = tpu.sem_alloc : memref<!tpu.dma_semaphore, #tpu.memory_space<semaphore_mem>>
      %dma_start3A_7 = arith.constant 0 : i32
      %dma_start3A_8 = tpu.memref_slice %arg4[%mul3A_2, %dma_start3A_7] : memref<16384x128xf32, #tpu.memory_space<hbm>> -> memref<512x128xf32, #tpu.memory_space<hbm>>
      %dma_start3A_9 = arith.constant 0 : i32
      %dma_start3A_10 = tpu.memref_slice %arg4[%mul3A_2, %dma_start3A_9] : memref<16384x128xf32, #tpu.memory_space<hbm>> -> memref<512x128xf32, #tpu.memory_space<hbm>>
      tpu.enqueue_dma source(%arg6 : memref<512x128xf32, #tpu.memory_space<vmem>>) target(%dma_start3A_10 : memref<512x128xf32, #tpu.memory_space<hbm>>) target_semaphore(%run_scoped3A : memref<!tpu.dma_semaphore, #tpu.memory_space<semaphore_mem>>)
      %dma_wait3A_11 = arith.constant 0 : i32
      %dma_wait3A_12 = tpu.memref_slice %arg4[%mul3A_2, %dma_wait3A_11] : memref<16384x128xf32, #tpu.memory_space<hbm>> -> memref<512x128xf32, #tpu.memory_space<hbm>>
      %dma_wait3A_13 = arith.constant 0 : i32
      %dma_wait3A_14 = tpu.memref_slice %arg4[%mul3A_2, %dma_wait3A_13] : memref<16384x128xf32, #tpu.memory_space<hbm>> -> memref<512x128xf32, #tpu.memory_space<hbm>>
      tpu.wait_dma2 semaphore(%run_scoped3A : memref<!tpu.dma_semaphore, #tpu.memory_space<semaphore_mem>>) src(%arg6 : memref<512x128xf32, #tpu.memory_space<vmem>>) dst(%dma_wait3A_14 : memref<512x128xf32, #tpu.memory_space<hbm>>)
      tpu.yield
    }) : () -> ()
    return
  }
}

module attributes {stable_mosaic.version = 14 : i64} {
  func.func @_enc_kernel(%arg0: i32, %arg1: memref<512x150xf32, #tpu.memory_space<vmem>>, %arg2: memref<150x256xf32, #tpu.memory_space<vmem>>, %arg3: memref<1x256xf32, #tpu.memory_space<vmem>>, %arg4: memref<256x256xf32, #tpu.memory_space<vmem>>, %arg5: memref<1x256xf32, #tpu.memory_space<vmem>>, %arg6: memref<256x128xf32, #tpu.memory_space<vmem>>, %arg7: memref<1x128xf32, #tpu.memory_space<vmem>>, %arg8: memref<32x8192xf32, #tpu.memory_space<vmem>>, %arg9: memref<512x128xf32, #tpu.memory_space<vmem>>, %arg10: memref<512x4xi32, #tpu.memory_space<vmem>>) attributes {dimension_semantics = [#tpu.dimension_semantics<parallel>], iteration_bounds = array<i64: 8>, scalar_prefetch = 0 : i64, scratch_operands = 0 : i64, tpu.core_type = #tpu.core_type<tc>, window_params = [{transform_indices = @transform_0, window_bounds = array<i64: 512, 150>}, {pipeline_mode = #tpu.pipeline_mode<synchronous>, transform_indices = @transform_1, window_bounds = array<i64: 150, 256>}, {pipeline_mode = #tpu.pipeline_mode<synchronous>, transform_indices = @transform_2, window_bounds = array<i64: 1, 256>}, {pipeline_mode = #tpu.pipeline_mode<synchronous>, transform_indices = @transform_3, window_bounds = array<i64: 256, 256>}, {pipeline_mode = #tpu.pipeline_mode<synchronous>, transform_indices = @transform_4, window_bounds = array<i64: 1, 256>}, {pipeline_mode = #tpu.pipeline_mode<synchronous>, transform_indices = @transform_5, window_bounds = array<i64: 256, 128>}, {pipeline_mode = #tpu.pipeline_mode<synchronous>, transform_indices = @transform_6, window_bounds = array<i64: 1, 128>}, {pipeline_mode = #tpu.pipeline_mode<synchronous>, transform_indices = @transform_7, window_bounds = array<i64: 32, 8192>}, {transform_indices = @transform_8, window_bounds = array<i64: 512, 128>}, {transform_indices = @transform_9, window_bounds = array<i64: 512, 4>}]} {
    %get3A = arith.constant 0 : index
    %get3A_0 = arith.constant 0 : index
    %get3A_1 = vector.load %arg1[%get3A, %get3A_0] : memref<512x150xf32, #tpu.memory_space<vmem>>, vector<512x150xf32>
    %get3A_2 = arith.constant 0 : index
    %get3A_3 = arith.constant 0 : index
    %get3A_4 = vector.load %arg2[%get3A_2, %get3A_3] : memref<150x256xf32, #tpu.memory_space<vmem>>, vector<150x256xf32>
    %convert_element_type3A = arith.truncf %get3A_1 : vector<512x150xf32> to vector<512x150xbf16>
    %convert_element_type3A_5 = arith.truncf %get3A_4 : vector<150x256xf32> to vector<150x256xbf16>
    %dot_general3A = arith.constant dense<0.000000e+00> : vector<512x256xf32>
    %dot_general3A_6 = tpu.matmul %convert_element_type3A, %convert_element_type3A_5, %dot_general3A {dimension_numbers = #tpu.dot_dimension_numbers<[1], [0], [0], [1], [0, 0, 1, 1], [], []>, transpose_lhs_hint = false} : vector<512x150xbf16>, vector<150x256xbf16>, vector<512x256xf32> -> vector<512x256xf32>
    %get3A_7 = arith.constant 0 : index
    %get3A_8 = arith.constant 0 : index
    %get3A_9 = vector.load %arg3[%get3A_7, %get3A_8] : memref<1x256xf32, #tpu.memory_space<vmem>>, vector<1x256xf32>
    %add3A = vector.broadcast %get3A_9 : vector<1x256xf32> to vector<512x256xf32>
    %add3A_10 = arith.addf %dot_general3A_6, %add3A : vector<512x256xf32>
    %logistic3A = arith.negf %add3A_10 : vector<512x256xf32>
    %logistic3A_11 = math.exp %logistic3A : vector<512x256xf32>
    %logistic3A_12 = arith.constant 1.000000e+00 : f32
    %logistic3A_13 = vector.broadcast %logistic3A_12 : f32 to vector<512x256xf32>
    %logistic3A_14 = arith.addf %logistic3A_13, %logistic3A_11 : vector<512x256xf32>
    %logistic3A_15 = arith.divf %logistic3A_13, %logistic3A_14 : vector<512x256xf32>
    %mul3A = arith.mulf %add3A_10, %logistic3A_15 : vector<512x256xf32>
    %get3A_16 = arith.constant 0 : index
    %get3A_17 = arith.constant 0 : index
    %get3A_18 = vector.load %arg4[%get3A_16, %get3A_17] : memref<256x256xf32, #tpu.memory_space<vmem>>, vector<256x256xf32>
    %convert_element_type3A_19 = arith.truncf %mul3A : vector<512x256xf32> to vector<512x256xbf16>
    %convert_element_type3A_20 = arith.truncf %get3A_18 : vector<256x256xf32> to vector<256x256xbf16>
    %dot_general3A_21 = arith.constant dense<0.000000e+00> : vector<512x256xf32>
    %dot_general3A_22 = tpu.matmul %convert_element_type3A_19, %convert_element_type3A_20, %dot_general3A_21 {dimension_numbers = #tpu.dot_dimension_numbers<[1], [0], [0], [1], [0, 0, 1, 1], [], []>, transpose_lhs_hint = false} : vector<512x256xbf16>, vector<256x256xbf16>, vector<512x256xf32> -> vector<512x256xf32>
    %get3A_23 = arith.constant 0 : index
    %get3A_24 = arith.constant 0 : index
    %get3A_25 = vector.load %arg5[%get3A_23, %get3A_24] : memref<1x256xf32, #tpu.memory_space<vmem>>, vector<1x256xf32>
    %add3A_26 = vector.broadcast %get3A_25 : vector<1x256xf32> to vector<512x256xf32>
    %add3A_27 = arith.addf %dot_general3A_22, %add3A_26 : vector<512x256xf32>
    %logistic3A_28 = arith.negf %add3A_27 : vector<512x256xf32>
    %logistic3A_29 = math.exp %logistic3A_28 : vector<512x256xf32>
    %logistic3A_30 = arith.constant 1.000000e+00 : f32
    %logistic3A_31 = vector.broadcast %logistic3A_30 : f32 to vector<512x256xf32>
    %logistic3A_32 = arith.addf %logistic3A_31, %logistic3A_29 : vector<512x256xf32>
    %logistic3A_33 = arith.divf %logistic3A_31, %logistic3A_32 : vector<512x256xf32>
    %mul3A_34 = arith.mulf %add3A_27, %logistic3A_33 : vector<512x256xf32>
    %get3A_35 = arith.constant 0 : index
    %get3A_36 = arith.constant 0 : index
    %get3A_37 = vector.load %arg6[%get3A_35, %get3A_36] : memref<256x128xf32, #tpu.memory_space<vmem>>, vector<256x128xf32>
    %convert_element_type3A_38 = arith.truncf %mul3A_34 : vector<512x256xf32> to vector<512x256xbf16>
    %convert_element_type3A_39 = arith.truncf %get3A_37 : vector<256x128xf32> to vector<256x128xbf16>
    %dot_general3A_40 = arith.constant dense<0.000000e+00> : vector<512x128xf32>
    %dot_general3A_41 = tpu.matmul %convert_element_type3A_38, %convert_element_type3A_39, %dot_general3A_40 {dimension_numbers = #tpu.dot_dimension_numbers<[1], [0], [0], [1], [0, 0, 1, 1], [], []>, transpose_lhs_hint = false} : vector<512x256xbf16>, vector<256x128xbf16>, vector<512x128xf32> -> vector<512x128xf32>
    %get3A_42 = arith.constant 0 : index
    %get3A_43 = arith.constant 0 : index
    %get3A_44 = vector.load %arg7[%get3A_42, %get3A_43] : memref<1x128xf32, #tpu.memory_space<vmem>>, vector<1x128xf32>
    %add3A_45 = vector.broadcast %get3A_44 : vector<1x128xf32> to vector<512x128xf32>
    %add3A_46 = arith.addf %dot_general3A_41, %add3A_45 : vector<512x128xf32>
    %swap3A = arith.constant 0 : index
    %swap3A_47 = arith.constant 0 : index
    %swap3A_48 = vector.load %arg9[%swap3A, %swap3A_47] : memref<512x128xf32, #tpu.memory_space<vmem>>, vector<512x128xf32>
    tpu.vector_store %arg9[%swap3A, %swap3A_47], %add3A_46 {strides = array<i32>} : memref<512x128xf32, #tpu.memory_space<vmem>>, vector<512x128xf32>,
    %get3A_49 = arith.constant 0 : index
    %get3A_50 = arith.constant 0 : index
    %get3A_51 = vector.load %arg8[%get3A_49, %get3A_50] : memref<32x8192xf32, #tpu.memory_space<vmem>>, vector<32x8192xf32>
    %mul3A_52 = arith.mulf %get3A_51, %get3A_51 : vector<32x8192xf32>
    %reduce_sum3A = arith.constant dense<0.000000e+00> : vector<8192xf32>
    %reduce_sum3A_53 = vector.multi_reduction <add>, %mul3A_52, %reduce_sum3A [0] : vector<32x8192xf32> to vector<8192xf32>
    %broadcast_in_dim3A = vector.shape_cast %reduce_sum3A_53 : vector<8192xf32> to vector<1x8192xf32>
    %iota3A = tpu.iota {dimensions = array<i32: 1>} : vector<1x4096xi32>
    %slice3A = vector.extract_strided_slice %add3A_46 {offsets = [0, 0], sizes = [512, 32], strides = [1, 1]} : vector<512x128xf32> to vector<512x32xf32>
    %mul3A_54 = arith.mulf %slice3A, %slice3A : vector<512x32xf32>
    %reduce_sum3A_55 = arith.constant dense<0.000000e+00> : vector<512xf32>
    %reduce_sum3A_56 = vector.multi_reduction <add>, %mul3A_54, %reduce_sum3A_55 [1] : vector<512x32xf32> to vector<512xf32>
    %broadcast_in_dim3A_57 = vector.shape_cast %reduce_sum3A_56 : vector<512xf32> to vector<512x1xf32>
    %dot_general3A_58 = arith.constant dense<0.000000e+00> : vector<512x8192xf32>
    %dot_general3A_59 = tpu.matmul %slice3A, %get3A_51, %dot_general3A_58 {dimension_numbers = #tpu.dot_dimension_numbers<[1], [0], [0], [1], [0, 0, 1, 1], [], []>, transpose_lhs_hint = false} : vector<512x32xf32>, vector<32x8192xf32>, vector<512x8192xf32> -> vector<512x8192xf32>
    %add3A_60 = vector.broadcast %broadcast_in_dim3A_57 : vector<512x1xf32> to vector<512x8192xf32>
    %add3A_61 = vector.broadcast %broadcast_in_dim3A : vector<1x8192xf32> to vector<512x8192xf32>
    %add3A_62 = arith.addf %add3A_60, %add3A_61 : vector<512x8192xf32>
    %mul3A_63 = arith.constant 2.000000e+00 : f32
    %mul3A_64 = vector.broadcast %mul3A_63 : f32 to vector<512x8192xf32>
    %mul3A_65 = arith.mulf %mul3A_64, %dot_general3A_59 : vector<512x8192xf32>
    %sub3A = arith.subf %add3A_62, %mul3A_65 : vector<512x8192xf32>
    %slice3A_66 = vector.extract_strided_slice %sub3A {offsets = [0, 0], sizes = [512, 4096], strides = [1, 1]} : vector<512x8192xf32> to vector<512x4096xf32>
    %slice3A_67 = vector.extract_strided_slice %sub3A {offsets = [0, 4096], sizes = [512, 4096], strides = [1, 1]} : vector<512x8192xf32> to vector<512x4096xf32>
    %reduce_min3A = arith.constant dense<0x7F800000> : vector<512xf32>
    %reduce_min3A_68 = vector.multi_reduction <minimumf>, %slice3A_66, %reduce_min3A [1] : vector<512x4096xf32> to vector<512xf32>
    %broadcast_in_dim3A_69 = vector.shape_cast %reduce_min3A_68 : vector<512xf32> to vector<512x1xf32>
    %eq3A = vector.broadcast %broadcast_in_dim3A_69 : vector<512x1xf32> to vector<512x4096xf32>
    %eq3A_70 = arith.cmpf oeq, %slice3A_66, %eq3A : vector<512x4096xf32>
    %jit3A = arith.constant 8192 : i32
    %broadcast_in_dim3A_71 = vector.shape_cast %iota3A : vector<1x4096xi32> to vector<1x4096xi32>
    %broadcast_in_dim3A_72 = vector.broadcast %broadcast_in_dim3A_71 : vector<1x4096xi32> to vector<512x4096xi32>
    %broadcast_in_dim3A_73 = vector.broadcast %jit3A : i32 to vector<512x4096xi32>
    %select_n3A = arith.select %eq3A_70, %broadcast_in_dim3A_72, %broadcast_in_dim3A_73 : vector<512x4096xi1>, vector<512x4096xi32>
    %reduce_min3A_74 = arith.constant dense<2147483647> : vector<512xi32>
    %reduce_min3A_75 = vector.multi_reduction <minsi>, %select_n3A, %reduce_min3A_74 [1] : vector<512x4096xi32> to vector<512xi32>
    %broadcast_in_dim3A_76 = vector.shape_cast %reduce_min3A_75 : vector<512xi32> to vector<512x1xi32>
    %reduce_min3A_77 = arith.constant dense<0x7F800000> : vector<512xf32>
    %reduce_min3A_78 = vector.multi_reduction <minimumf>, %slice3A_67, %reduce_min3A_77 [1] : vector<512x4096xf32> to vector<512xf32>
    %broadcast_in_dim3A_79 = vector.shape_cast %reduce_min3A_78 : vector<512xf32> to vector<512x1xf32>
    %eq3A_80 = vector.broadcast %broadcast_in_dim3A_79 : vector<512x1xf32> to vector<512x4096xf32>
    %eq3A_81 = arith.cmpf oeq, %slice3A_67, %eq3A_80 : vector<512x4096xf32>
    %jit3A_82 = arith.constant 8192 : i32
    %broadcast_in_dim3A_83 = vector.shape_cast %iota3A : vector<1x4096xi32> to vector<1x4096xi32>
    %broadcast_in_dim3A_84 = vector.broadcast %broadcast_in_dim3A_83 : vector<1x4096xi32> to vector<512x4096xi32>
    %broadcast_in_dim3A_85 = vector.broadcast %jit3A_82 : i32 to vector<512x4096xi32>
    %select_n3A_86 = arith.select %eq3A_81, %broadcast_in_dim3A_84, %broadcast_in_dim3A_85 : vector<512x4096xi1>, vector<512x4096xi32>
    %reduce_min3A_87 = arith.constant dense<2147483647> : vector<512xi32>
    %reduce_min3A_88 = vector.multi_reduction <minsi>, %select_n3A_86, %reduce_min3A_87 [1] : vector<512x4096xi32> to vector<512xi32>
    %broadcast_in_dim3A_89 = vector.shape_cast %reduce_min3A_88 : vector<512xi32> to vector<512x1xi32>
    %add3A_90 = arith.constant 4096 : i32
    %add3A_91 = vector.broadcast %add3A_90 : i32 to vector<512x1xi32>
    %add3A_92 = arith.addi %broadcast_in_dim3A_89, %add3A_91 : vector<512x1xi32>
    %convert_element_type3A_93 = arith.truncf %broadcast_in_dim3A_69 : vector<512x1xf32> to vector<512x1xbf16>
    %convert_element_type3A_94 = arith.extf %convert_element_type3A_93 : vector<512x1xbf16> to vector<512x1xf32>
    %lt3A = arith.cmpf olt, %broadcast_in_dim3A_79, %convert_element_type3A_94 : vector<512x1xf32>
    %select_n3A_95 = arith.select %lt3A, %add3A_92, %broadcast_in_dim3A_76 : vector<512x1xi1>, vector<512x1xi32>
    %slice3A_96 = vector.extract_strided_slice %add3A_46 {offsets = [0, 32], sizes = [512, 32], strides = [1, 1]} : vector<512x128xf32> to vector<512x32xf32>
    %mul3A_97 = arith.mulf %slice3A_96, %slice3A_96 : vector<512x32xf32>
    %reduce_sum3A_98 = arith.constant dense<0.000000e+00> : vector<512xf32>
    %reduce_sum3A_99 = vector.multi_reduction <add>, %mul3A_97, %reduce_sum3A_98 [1] : vector<512x32xf32> to vector<512xf32>
    %broadcast_in_dim3A_100 = vector.shape_cast %reduce_sum3A_99 : vector<512xf32> to vector<512x1xf32>
    %dot_general3A_101 = arith.constant dense<0.000000e+00> : vector<512x8192xf32>
    %dot_general3A_102 = tpu.matmul %slice3A_96, %get3A_51, %dot_general3A_101 {dimension_numbers = #tpu.dot_dimension_numbers<[1], [0], [0], [1], [0, 0, 1, 1], [], []>, transpose_lhs_hint = false} : vector<512x32xf32>, vector<32x8192xf32>, vector<512x8192xf32> -> vector<512x8192xf32>
    %add3A_103 = vector.broadcast %broadcast_in_dim3A_100 : vector<512x1xf32> to vector<512x8192xf32>
    %add3A_104 = vector.broadcast %broadcast_in_dim3A : vector<1x8192xf32> to vector<512x8192xf32>
    %add3A_105 = arith.addf %add3A_103, %add3A_104 : vector<512x8192xf32>
    %mul3A_106 = arith.constant 2.000000e+00 : f32
    %mul3A_107 = vector.broadcast %mul3A_106 : f32 to vector<512x8192xf32>
    %mul3A_108 = arith.mulf %mul3A_107, %dot_general3A_102 : vector<512x8192xf32>
    %sub3A_109 = arith.subf %add3A_105, %mul3A_108 : vector<512x8192xf32>
    %slice3A_110 = vector.extract_strided_slice %sub3A_109 {offsets = [0, 0], sizes = [512, 4096], strides = [1, 1]} : vector<512x8192xf32> to vector<512x4096xf32>
    %slice3A_111 = vector.extract_strided_slice %sub3A_109 {offsets = [0, 4096], sizes = [512, 4096], strides = [1, 1]} : vector<512x8192xf32> to vector<512x4096xf32>
    %reduce_min3A_112 = arith.constant dense<0x7F800000> : vector<512xf32>
    %reduce_min3A_113 = vector.multi_reduction <minimumf>, %slice3A_110, %reduce_min3A_112 [1] : vector<512x4096xf32> to vector<512xf32>
    %broadcast_in_dim3A_114 = vector.shape_cast %reduce_min3A_113 : vector<512xf32> to vector<512x1xf32>
    %eq3A_115 = vector.broadcast %broadcast_in_dim3A_114 : vector<512x1xf32> to vector<512x4096xf32>
    %eq3A_116 = arith.cmpf oeq, %slice3A_110, %eq3A_115 : vector<512x4096xf32>
    %jit3A_117 = arith.constant 8192 : i32
    %broadcast_in_dim3A_118 = vector.shape_cast %iota3A : vector<1x4096xi32> to vector<1x4096xi32>
    %broadcast_in_dim3A_119 = vector.broadcast %broadcast_in_dim3A_118 : vector<1x4096xi32> to vector<512x4096xi32>
    %broadcast_in_dim3A_120 = vector.broadcast %jit3A_117 : i32 to vector<512x4096xi32>
    %select_n3A_121 = arith.select %eq3A_116, %broadcast_in_dim3A_119, %broadcast_in_dim3A_120 : vector<512x4096xi1>, vector<512x4096xi32>
    %reduce_min3A_122 = arith.constant dense<2147483647> : vector<512xi32>
    %reduce_min3A_123 = vector.multi_reduction <minsi>, %select_n3A_121, %reduce_min3A_122 [1] : vector<512x4096xi32> to vector<512xi32>
    %broadcast_in_dim3A_124 = vector.shape_cast %reduce_min3A_123 : vector<512xi32> to vector<512x1xi32>
    %reduce_min3A_125 = arith.constant dense<0x7F800000> : vector<512xf32>
    %reduce_min3A_126 = vector.multi_reduction <minimumf>, %slice3A_111, %reduce_min3A_125 [1] : vector<512x4096xf32> to vector<512xf32>
    %broadcast_in_dim3A_127 = vector.shape_cast %reduce_min3A_126 : vector<512xf32> to vector<512x1xf32>
    %eq3A_128 = vector.broadcast %broadcast_in_dim3A_127 : vector<512x1xf32> to vector<512x4096xf32>
    %eq3A_129 = arith.cmpf oeq, %slice3A_111, %eq3A_128 : vector<512x4096xf32>
    %jit3A_130 = arith.constant 8192 : i32
    %broadcast_in_dim3A_131 = vector.shape_cast %iota3A : vector<1x4096xi32> to vector<1x4096xi32>
    %broadcast_in_dim3A_132 = vector.broadcast %broadcast_in_dim3A_131 : vector<1x4096xi32> to vector<512x4096xi32>
    %broadcast_in_dim3A_133 = vector.broadcast %jit3A_130 : i32 to vector<512x4096xi32>
    %select_n3A_134 = arith.select %eq3A_129, %broadcast_in_dim3A_132, %broadcast_in_dim3A_133 : vector<512x4096xi1>, vector<512x4096xi32>
    %reduce_min3A_135 = arith.constant dense<2147483647> : vector<512xi32>
    %reduce_min3A_136 = vector.multi_reduction <minsi>, %select_n3A_134, %reduce_min3A_135 [1] : vector<512x4096xi32> to vector<512xi32>
    %broadcast_in_dim3A_137 = vector.shape_cast %reduce_min3A_136 : vector<512xi32> to vector<512x1xi32>
    %add3A_138 = arith.constant 4096 : i32
    %add3A_139 = vector.broadcast %add3A_138 : i32 to vector<512x1xi32>
    %add3A_140 = arith.addi %broadcast_in_dim3A_137, %add3A_139 : vector<512x1xi32>
    %convert_element_type3A_141 = arith.truncf %broadcast_in_dim3A_114 : vector<512x1xf32> to vector<512x1xbf16>
    %convert_element_type3A_142 = arith.extf %convert_element_type3A_141 : vector<512x1xbf16> to vector<512x1xf32>
    %lt3A_143 = arith.cmpf olt, %broadcast_in_dim3A_127, %convert_element_type3A_142 : vector<512x1xf32>
    %select_n3A_144 = arith.select %lt3A_143, %add3A_140, %broadcast_in_dim3A_124 : vector<512x1xi1>, vector<512x1xi32>
    %slice3A_145 = vector.extract_strided_slice %add3A_46 {offsets = [0, 64], sizes = [512, 32], strides = [1, 1]} : vector<512x128xf32> to vector<512x32xf32>
    %mul3A_146 = arith.mulf %slice3A_145, %slice3A_145 : vector<512x32xf32>
    %reduce_sum3A_147 = arith.constant dense<0.000000e+00> : vector<512xf32>
    %reduce_sum3A_148 = vector.multi_reduction <add>, %mul3A_146, %reduce_sum3A_147 [1] : vector<512x32xf32> to vector<512xf32>
    %broadcast_in_dim3A_149 = vector.shape_cast %reduce_sum3A_148 : vector<512xf32> to vector<512x1xf32>
    %dot_general3A_150 = arith.constant dense<0.000000e+00> : vector<512x8192xf32>
    %dot_general3A_151 = tpu.matmul %slice3A_145, %get3A_51, %dot_general3A_150 {dimension_numbers = #tpu.dot_dimension_numbers<[1], [0], [0], [1], [0, 0, 1, 1], [], []>, transpose_lhs_hint = false} : vector<512x32xf32>, vector<32x8192xf32>, vector<512x8192xf32> -> vector<512x8192xf32>
    %add3A_152 = vector.broadcast %broadcast_in_dim3A_149 : vector<512x1xf32> to vector<512x8192xf32>
    %add3A_153 = vector.broadcast %broadcast_in_dim3A : vector<1x8192xf32> to vector<512x8192xf32>
    %add3A_154 = arith.addf %add3A_152, %add3A_153 : vector<512x8192xf32>
    %mul3A_155 = arith.constant 2.000000e+00 : f32
    %mul3A_156 = vector.broadcast %mul3A_155 : f32 to vector<512x8192xf32>
    %mul3A_157 = arith.mulf %mul3A_156, %dot_general3A_151 : vector<512x8192xf32>
    %sub3A_158 = arith.subf %add3A_154, %mul3A_157 : vector<512x8192xf32>
    %slice3A_159 = vector.extract_strided_slice %sub3A_158 {offsets = [0, 0], sizes = [512, 4096], strides = [1, 1]} : vector<512x8192xf32> to vector<512x4096xf32>
    %slice3A_160 = vector.extract_strided_slice %sub3A_158 {offsets = [0, 4096], sizes = [512, 4096], strides = [1, 1]} : vector<512x8192xf32> to vector<512x4096xf32>
    %reduce_min3A_161 = arith.constant dense<0x7F800000> : vector<512xf32>
    %reduce_min3A_162 = vector.multi_reduction <minimumf>, %slice3A_159, %reduce_min3A_161 [1] : vector<512x4096xf32> to vector<512xf32>
    %broadcast_in_dim3A_163 = vector.shape_cast %reduce_min3A_162 : vector<512xf32> to vector<512x1xf32>
    %eq3A_164 = vector.broadcast %broadcast_in_dim3A_163 : vector<512x1xf32> to vector<512x4096xf32>
    %eq3A_165 = arith.cmpf oeq, %slice3A_159, %eq3A_164 : vector<512x4096xf32>
    %jit3A_166 = arith.constant 8192 : i32
    %broadcast_in_dim3A_167 = vector.shape_cast %iota3A : vector<1x4096xi32> to vector<1x4096xi32>
    %broadcast_in_dim3A_168 = vector.broadcast %broadcast_in_dim3A_167 : vector<1x4096xi32> to vector<512x4096xi32>
    %broadcast_in_dim3A_169 = vector.broadcast %jit3A_166 : i32 to vector<512x4096xi32>
    %select_n3A_170 = arith.select %eq3A_165, %broadcast_in_dim3A_168, %broadcast_in_dim3A_169 : vector<512x4096xi1>, vector<512x4096xi32>
    %reduce_min3A_171 = arith.constant dense<2147483647> : vector<512xi32>
    %reduce_min3A_172 = vector.multi_reduction <minsi>, %select_n3A_170, %reduce_min3A_171 [1] : vector<512x4096xi32> to vector<512xi32>
    %broadcast_in_dim3A_173 = vector.shape_cast %reduce_min3A_172 : vector<512xi32> to vector<512x1xi32>
    %reduce_min3A_174 = arith.constant dense<0x7F800000> : vector<512xf32>
    %reduce_min3A_175 = vector.multi_reduction <minimumf>, %slice3A_160, %reduce_min3A_174 [1] : vector<512x4096xf32> to vector<512xf32>
    %broadcast_in_dim3A_176 = vector.shape_cast %reduce_min3A_175 : vector<512xf32> to vector<512x1xf32>
    %eq3A_177 = vector.broadcast %broadcast_in_dim3A_176 : vector<512x1xf32> to vector<512x4096xf32>
    %eq3A_178 = arith.cmpf oeq, %slice3A_160, %eq3A_177 : vector<512x4096xf32>
    %jit3A_179 = arith.constant 8192 : i32
    %broadcast_in_dim3A_180 = vector.shape_cast %iota3A : vector<1x4096xi32> to vector<1x4096xi32>
    %broadcast_in_dim3A_181 = vector.broadcast %broadcast_in_dim3A_180 : vector<1x4096xi32> to vector<512x4096xi32>
    %broadcast_in_dim3A_182 = vector.broadcast %jit3A_179 : i32 to vector<512x4096xi32>
    %select_n3A_183 = arith.select %eq3A_178, %broadcast_in_dim3A_181, %broadcast_in_dim3A_182 : vector<512x4096xi1>, vector<512x4096xi32>
    %reduce_min3A_184 = arith.constant dense<2147483647> : vector<512xi32>
    %reduce_min3A_185 = vector.multi_reduction <minsi>, %select_n3A_183, %reduce_min3A_184 [1] : vector<512x4096xi32> to vector<512xi32>
    %broadcast_in_dim3A_186 = vector.shape_cast %reduce_min3A_185 : vector<512xi32> to vector<512x1xi32>
    %add3A_187 = arith.constant 4096 : i32
    %add3A_188 = vector.broadcast %add3A_187 : i32 to vector<512x1xi32>
    %add3A_189 = arith.addi %broadcast_in_dim3A_186, %add3A_188 : vector<512x1xi32>
    %convert_element_type3A_190 = arith.truncf %broadcast_in_dim3A_163 : vector<512x1xf32> to vector<512x1xbf16>
    %convert_element_type3A_191 = arith.extf %convert_element_type3A_190 : vector<512x1xbf16> to vector<512x1xf32>
    %lt3A_192 = arith.cmpf olt, %broadcast_in_dim3A_176, %convert_element_type3A_191 : vector<512x1xf32>
    %select_n3A_193 = arith.select %lt3A_192, %add3A_189, %broadcast_in_dim3A_173 : vector<512x1xi1>, vector<512x1xi32>
    %slice3A_194 = vector.extract_strided_slice %add3A_46 {offsets = [0, 96], sizes = [512, 32], strides = [1, 1]} : vector<512x128xf32> to vector<512x32xf32>
    %mul3A_195 = arith.mulf %slice3A_194, %slice3A_194 : vector<512x32xf32>
    %reduce_sum3A_196 = arith.constant dense<0.000000e+00> : vector<512xf32>
    %reduce_sum3A_197 = vector.multi_reduction <add>, %mul3A_195, %reduce_sum3A_196 [1] : vector<512x32xf32> to vector<512xf32>
    %broadcast_in_dim3A_198 = vector.shape_cast %reduce_sum3A_197 : vector<512xf32> to vector<512x1xf32>
    %dot_general3A_199 = arith.constant dense<0.000000e+00> : vector<512x8192xf32>
    %dot_general3A_200 = tpu.matmul %slice3A_194, %get3A_51, %dot_general3A_199 {dimension_numbers = #tpu.dot_dimension_numbers<[1], [0], [0], [1], [0, 0, 1, 1], [], []>, transpose_lhs_hint = false} : vector<512x32xf32>, vector<32x8192xf32>, vector<512x8192xf32> -> vector<512x8192xf32>
    %add3A_201 = vector.broadcast %broadcast_in_dim3A_198 : vector<512x1xf32> to vector<512x8192xf32>
    %add3A_202 = vector.broadcast %broadcast_in_dim3A : vector<1x8192xf32> to vector<512x8192xf32>
    %add3A_203 = arith.addf %add3A_201, %add3A_202 : vector<512x8192xf32>
    %mul3A_204 = arith.constant 2.000000e+00 : f32
    %mul3A_205 = vector.broadcast %mul3A_204 : f32 to vector<512x8192xf32>
    %mul3A_206 = arith.mulf %mul3A_205, %dot_general3A_200 : vector<512x8192xf32>
    %sub3A_207 = arith.subf %add3A_203, %mul3A_206 : vector<512x8192xf32>
    %slice3A_208 = vector.extract_strided_slice %sub3A_207 {offsets = [0, 0], sizes = [512, 4096], strides = [1, 1]} : vector<512x8192xf32> to vector<512x4096xf32>
    %slice3A_209 = vector.extract_strided_slice %sub3A_207 {offsets = [0, 4096], sizes = [512, 4096], strides = [1, 1]} : vector<512x8192xf32> to vector<512x4096xf32>
    %reduce_min3A_210 = arith.constant dense<0x7F800000> : vector<512xf32>
    %reduce_min3A_211 = vector.multi_reduction <minimumf>, %slice3A_208, %reduce_min3A_210 [1] : vector<512x4096xf32> to vector<512xf32>
    %broadcast_in_dim3A_212 = vector.shape_cast %reduce_min3A_211 : vector<512xf32> to vector<512x1xf32>
    %eq3A_213 = vector.broadcast %broadcast_in_dim3A_212 : vector<512x1xf32> to vector<512x4096xf32>
    %eq3A_214 = arith.cmpf oeq, %slice3A_208, %eq3A_213 : vector<512x4096xf32>
    %jit3A_215 = arith.constant 8192 : i32
    %broadcast_in_dim3A_216 = vector.shape_cast %iota3A : vector<1x4096xi32> to vector<1x4096xi32>
    %broadcast_in_dim3A_217 = vector.broadcast %broadcast_in_dim3A_216 : vector<1x4096xi32> to vector<512x4096xi32>
    %broadcast_in_dim3A_218 = vector.broadcast %jit3A_215 : i32 to vector<512x4096xi32>
    %select_n3A_219 = arith.select %eq3A_214, %broadcast_in_dim3A_217, %broadcast_in_dim3A_218 : vector<512x4096xi1>, vector<512x4096xi32>
    %reduce_min3A_220 = arith.constant dense<2147483647> : vector<512xi32>
    %reduce_min3A_221 = vector.multi_reduction <minsi>, %select_n3A_219, %reduce_min3A_220 [1] : vector<512x4096xi32> to vector<512xi32>
    %broadcast_in_dim3A_222 = vector.shape_cast %reduce_min3A_221 : vector<512xi32> to vector<512x1xi32>
    %reduce_min3A_223 = arith.constant dense<0x7F800000> : vector<512xf32>
    %reduce_min3A_224 = vector.multi_reduction <minimumf>, %slice3A_209, %reduce_min3A_223 [1] : vector<512x4096xf32> to vector<512xf32>
    %broadcast_in_dim3A_225 = vector.shape_cast %reduce_min3A_224 : vector<512xf32> to vector<512x1xf32>
    %eq3A_226 = vector.broadcast %broadcast_in_dim3A_225 : vector<512x1xf32> to vector<512x4096xf32>
    %eq3A_227 = arith.cmpf oeq, %slice3A_209, %eq3A_226 : vector<512x4096xf32>
    %jit3A_228 = arith.constant 8192 : i32
    %broadcast_in_dim3A_229 = vector.shape_cast %iota3A : vector<1x4096xi32> to vector<1x4096xi32>
    %broadcast_in_dim3A_230 = vector.broadcast %broadcast_in_dim3A_229 : vector<1x4096xi32> to vector<512x4096xi32>
    %broadcast_in_dim3A_231 = vector.broadcast %jit3A_228 : i32 to vector<512x4096xi32>
    %select_n3A_232 = arith.select %eq3A_227, %broadcast_in_dim3A_230, %broadcast_in_dim3A_231 : vector<512x4096xi1>, vector<512x4096xi32>
    %reduce_min3A_233 = arith.constant dense<2147483647> : vector<512xi32>
    %reduce_min3A_234 = vector.multi_reduction <minsi>, %select_n3A_232, %reduce_min3A_233 [1] : vector<512x4096xi32> to vector<512xi32>
    %broadcast_in_dim3A_235 = vector.shape_cast %reduce_min3A_234 : vector<512xi32> to vector<512x1xi32>
    %add3A_236 = arith.constant 4096 : i32
    %add3A_237 = vector.broadcast %add3A_236 : i32 to vector<512x1xi32>
    %add3A_238 = arith.addi %broadcast_in_dim3A_235, %add3A_237 : vector<512x1xi32>
    %convert_element_type3A_239 = arith.truncf %broadcast_in_dim3A_212 : vector<512x1xf32> to vector<512x1xbf16>
    %convert_element_type3A_240 = arith.extf %convert_element_type3A_239 : vector<512x1xbf16> to vector<512x1xf32>
    %lt3A_241 = arith.cmpf olt, %broadcast_in_dim3A_225, %convert_element_type3A_240 : vector<512x1xf32>
    %select_n3A_242 = arith.select %lt3A_241, %add3A_238, %broadcast_in_dim3A_222 : vector<512x1xi1>, vector<512x1xi32>
    %concatenate3A = tpu.concatenate %select_n3A_95, %select_n3A_144, %select_n3A_193, %select_n3A_242 in 1 : vector<512x1xi32>, vector<512x1xi32>, vector<512x1xi32>, vector<512x1xi32> -> vector<512x4xi32>
    %swap3A_243 = arith.constant 0 : index
    %swap3A_244 = arith.constant 0 : index
    %swap3A_245 = vector.load %arg10[%swap3A_243, %swap3A_244] : memref<512x4xi32, #tpu.memory_space<vmem>>, vector<512x4xi32>
    tpu.vector_store %arg10[%swap3A_243, %swap3A_244], %concatenate3A {strides = array<i32>} : memref<512x4xi32, #tpu.memory_space<vmem>>, vector<512x4xi32>,
    return
  }
  func.func @transform_0(%arg0: i32) -> (i32, i32) {
    %c0_i32 = arith.constant 0 : i32
    %c0_i32_0 = arith.constant 0 : i32
    return %arg0, %c0_i32 : i32, i32
  }
  func.func @transform_1(%arg0: i32) -> (i32, i32) {
    %c0_i32 = arith.constant 0 : i32
    %c0_i32_0 = arith.constant 0 : i32
    %c0_i32_1 = arith.constant 0 : i32
    return %c0_i32, %c0_i32_0 : i32, i32
  }
  func.func @transform_2(%arg0: i32) -> (i32, i32) {
    %c0_i32 = arith.constant 0 : i32
    %c0_i32_0 = arith.constant 0 : i32
    %c0_i32_1 = arith.constant 0 : i32
    return %c0_i32, %c0_i32_0 : i32, i32
  }
  func.func @transform_3(%arg0: i32) -> (i32, i32) {
    %c0_i32 = arith.constant 0 : i32
    %c0_i32_0 = arith.constant 0 : i32
    %c0_i32_1 = arith.constant 0 : i32
    return %c0_i32, %c0_i32_0 : i32, i32
  }
  func.func @transform_4(%arg0: i32) -> (i32, i32) {
    %c0_i32 = arith.constant 0 : i32
    %c0_i32_0 = arith.constant 0 : i32
    %c0_i32_1 = arith.constant 0 : i32
    return %c0_i32, %c0_i32_0 : i32, i32
  }
  func.func @transform_5(%arg0: i32) -> (i32, i32) {
    %c0_i32 = arith.constant 0 : i32
    %c0_i32_0 = arith.constant 0 : i32
    %c0_i32_1 = arith.constant 0 : i32
    return %c0_i32, %c0_i32_0 : i32, i32
  }
  func.func @transform_6(%arg0: i32) -> (i32, i32) {
    %c0_i32 = arith.constant 0 : i32
    %c0_i32_0 = arith.constant 0 : i32
    %c0_i32_1 = arith.constant 0 : i32
    return %c0_i32, %c0_i32_0 : i32, i32
  }
  func.func @transform_7(%arg0: i32) -> (i32, i32) {
    %c0_i32 = arith.constant 0 : i32
    %c0_i32_0 = arith.constant 0 : i32
    %c0_i32_1 = arith.constant 0 : i32
    return %c0_i32, %c0_i32_0 : i32, i32
  }
  func.func @transform_8(%arg0: i32) -> (i32, i32) {
    %c0_i32 = arith.constant 0 : i32
    %c0_i32_0 = arith.constant 0 : i32
    return %arg0, %c0_i32 : i32, i32
  }
  func.func @transform_9(%arg0: i32) -> (i32, i32) {
    %c0_i32 = arith.constant 0 : i32
    %c0_i32_0 = arith.constant 0 : i32
    return %arg0, %c0_i32 : i32, i32
  }
}

module attributes {stable_mosaic.version = 14 : i64} {
  func.func @_dec_kernel(%arg0: i32, %arg1: memref<256x150xf32, #tpu.memory_space<vmem>>, %arg2: memref<256x128xf32, #tpu.memory_space<vmem>>, %arg3: memref<256x128xf32, #tpu.memory_space<vmem>>, %arg4: memref<128x256xf32, #tpu.memory_space<vmem>>, %arg5: memref<1x256xf32, #tpu.memory_space<vmem>>, %arg6: memref<256x256xf32, #tpu.memory_space<vmem>>, %arg7: memref<1x256xf32, #tpu.memory_space<vmem>>, %arg8: memref<256x150xf32, #tpu.memory_space<vmem>>, %arg9: memref<1x150xf32, #tpu.memory_space<vmem>>, %arg10: memref<256x150xf32, #tpu.memory_space<vmem>>, %arg11: memref<1x1x128xf32, #tpu.memory_space<vmem>>, %arg12: memref<1x1x128xf32, #tpu.memory_space<vmem>>) attributes {dimension_semantics = [#tpu.dimension_semantics<parallel>], iteration_bounds = array<i64: 16>, scalar_prefetch = 0 : i64, scratch_operands = 0 : i64, tpu.core_type = #tpu.core_type<tc>, window_params = [{transform_indices = @transform_0, window_bounds = array<i64: 256, 150>}, {transform_indices = @transform_1, window_bounds = array<i64: 256, 128>}, {transform_indices = @transform_2, window_bounds = array<i64: 256, 128>}, {pipeline_mode = #tpu.pipeline_mode<synchronous>, transform_indices = @transform_3, window_bounds = array<i64: 128, 256>}, {pipeline_mode = #tpu.pipeline_mode<synchronous>, transform_indices = @transform_4, window_bounds = array<i64: 1, 256>}, {pipeline_mode = #tpu.pipeline_mode<synchronous>, transform_indices = @transform_5, window_bounds = array<i64: 256, 256>}, {pipeline_mode = #tpu.pipeline_mode<synchronous>, transform_indices = @transform_6, window_bounds = array<i64: 1, 256>}, {pipeline_mode = #tpu.pipeline_mode<synchronous>, transform_indices = @transform_7, window_bounds = array<i64: 256, 150>}, {pipeline_mode = #tpu.pipeline_mode<synchronous>, transform_indices = @transform_8, window_bounds = array<i64: 1, 150>}, {transform_indices = @transform_9, window_bounds = array<i64: 256, 150>}, {transform_indices = @transform_10, window_bounds = array<i64: 1, 1, 128>}, {transform_indices = @transform_11, window_bounds = array<i64: 1, 1, 128>}]} {
    %get3A = arith.constant 0 : index
    %get3A_0 = arith.constant 0 : index
    %get3A_1 = vector.load %arg3[%get3A, %get3A_0] : memref<256x128xf32, #tpu.memory_space<vmem>>, vector<256x128xf32>
    %get3A_2 = arith.constant 0 : index
    %get3A_3 = arith.constant 0 : index
    %get3A_4 = vector.load %arg2[%get3A_2, %get3A_3] : memref<256x128xf32, #tpu.memory_space<vmem>>, vector<256x128xf32>
    %sub3A = arith.subf %get3A_1, %get3A_4 : vector<256x128xf32>
    %mul3A = arith.mulf %sub3A, %sub3A : vector<256x128xf32>
    %reduce_sum3A = vector.shape_cast %mul3A : vector<256x128xf32> to vector<1x256x128xf32>
    %reduce_sum3A_5 = arith.constant dense<0.000000e+00> : vector<1xf32>
    %reduce_sum3A_6 = vector.multi_reduction <add>, %reduce_sum3A, %reduce_sum3A_5 [1, 2] : vector<1x256x128xf32> to vector<1xf32>
    %reduce_sum3A_7 = vector.shape_cast %reduce_sum3A_6 : vector<1xf32> to vector<1x1x1xf32>
    %reduce_sum3A_8 = vector.extract %reduce_sum3A_7[0, 0, 0] : f32 from vector<1x1x1xf32>
    %broadcast_in_dim3A = vector.broadcast %reduce_sum3A_8 : f32 to vector<1x1x128xf32>
    %swap3A = arith.constant 0 : index
    %swap3A_9 = arith.constant 0 : index
    %swap3A_10 = arith.constant 0 : index
    %swap3A_11 = vector.load %arg11[%swap3A, %swap3A_9, %swap3A_10] : memref<1x1x128xf32, #tpu.memory_space<vmem>>, vector<1x1x128xf32>
    tpu.vector_store %arg11[%swap3A, %swap3A_9, %swap3A_10], %broadcast_in_dim3A {strides = array<i32>} : memref<1x1x128xf32, #tpu.memory_space<vmem>>, vector<1x1x128xf32>,
    %get3A_12 = arith.constant 0 : index
    %get3A_13 = arith.constant 0 : index
    %get3A_14 = vector.load %arg4[%get3A_12, %get3A_13] : memref<128x256xf32, #tpu.memory_space<vmem>>, vector<128x256xf32>
    %convert_element_type3A = arith.truncf %get3A_1 : vector<256x128xf32> to vector<256x128xbf16>
    %convert_element_type3A_15 = arith.truncf %get3A_14 : vector<128x256xf32> to vector<128x256xbf16>
    %dot_general3A = arith.constant dense<0.000000e+00> : vector<256x256xf32>
    %dot_general3A_16 = tpu.matmul %convert_element_type3A, %convert_element_type3A_15, %dot_general3A {dimension_numbers = #tpu.dot_dimension_numbers<[1], [0], [0], [1], [0, 0, 1, 1], [], []>, transpose_lhs_hint = false} : vector<256x128xbf16>, vector<128x256xbf16>, vector<256x256xf32> -> vector<256x256xf32>
    %get3A_17 = arith.constant 0 : index
    %get3A_18 = arith.constant 0 : index
    %get3A_19 = vector.load %arg5[%get3A_17, %get3A_18] : memref<1x256xf32, #tpu.memory_space<vmem>>, vector<1x256xf32>
    %add3A = vector.broadcast %get3A_19 : vector<1x256xf32> to vector<256x256xf32>
    %add3A_20 = arith.addf %dot_general3A_16, %add3A : vector<256x256xf32>
    %logistic3A = arith.negf %add3A_20 : vector<256x256xf32>
    %logistic3A_21 = math.exp %logistic3A : vector<256x256xf32>
    %logistic3A_22 = arith.constant 1.000000e+00 : f32
    %logistic3A_23 = vector.broadcast %logistic3A_22 : f32 to vector<256x256xf32>
    %logistic3A_24 = arith.addf %logistic3A_23, %logistic3A_21 : vector<256x256xf32>
    %logistic3A_25 = arith.divf %logistic3A_23, %logistic3A_24 : vector<256x256xf32>
    %mul3A_26 = arith.mulf %add3A_20, %logistic3A_25 : vector<256x256xf32>
    %get3A_27 = arith.constant 0 : index
    %get3A_28 = arith.constant 0 : index
    %get3A_29 = vector.load %arg6[%get3A_27, %get3A_28] : memref<256x256xf32, #tpu.memory_space<vmem>>, vector<256x256xf32>
    %convert_element_type3A_30 = arith.truncf %mul3A_26 : vector<256x256xf32> to vector<256x256xbf16>
    %convert_element_type3A_31 = arith.truncf %get3A_29 : vector<256x256xf32> to vector<256x256xbf16>
    %dot_general3A_32 = arith.constant dense<0.000000e+00> : vector<256x256xf32>
    %dot_general3A_33 = tpu.matmul %convert_element_type3A_30, %convert_element_type3A_31, %dot_general3A_32 {dimension_numbers = #tpu.dot_dimension_numbers<[1], [0], [0], [1], [0, 0, 1, 1], [], []>, transpose_lhs_hint = false} : vector<256x256xbf16>, vector<256x256xbf16>, vector<256x256xf32> -> vector<256x256xf32>
    %get3A_34 = arith.constant 0 : index
    %get3A_35 = arith.constant 0 : index
    %get3A_36 = vector.load %arg7[%get3A_34, %get3A_35] : memref<1x256xf32, #tpu.memory_space<vmem>>, vector<1x256xf32>
    %add3A_37 = vector.broadcast %get3A_36 : vector<1x256xf32> to vector<256x256xf32>
    %add3A_38 = arith.addf %dot_general3A_33, %add3A_37 : vector<256x256xf32>
    %logistic3A_39 = arith.negf %add3A_38 : vector<256x256xf32>
    %logistic3A_40 = math.exp %logistic3A_39 : vector<256x256xf32>
    %logistic3A_41 = arith.constant 1.000000e+00 : f32
    %logistic3A_42 = vector.broadcast %logistic3A_41 : f32 to vector<256x256xf32>
    %logistic3A_43 = arith.addf %logistic3A_42, %logistic3A_40 : vector<256x256xf32>
    %logistic3A_44 = arith.divf %logistic3A_42, %logistic3A_43 : vector<256x256xf32>
    %mul3A_45 = arith.mulf %add3A_38, %logistic3A_44 : vector<256x256xf32>
    %get3A_46 = arith.constant 0 : index
    %get3A_47 = arith.constant 0 : index
    %get3A_48 = vector.load %arg8[%get3A_46, %get3A_47] : memref<256x150xf32, #tpu.memory_space<vmem>>, vector<256x150xf32>
    %convert_element_type3A_49 = arith.truncf %mul3A_45 : vector<256x256xf32> to vector<256x256xbf16>
    %convert_element_type3A_50 = arith.truncf %get3A_48 : vector<256x150xf32> to vector<256x150xbf16>
    %dot_general3A_51 = arith.constant dense<0.000000e+00> : vector<256x150xf32>
    %dot_general3A_52 = tpu.matmul %convert_element_type3A_49, %convert_element_type3A_50, %dot_general3A_51 {dimension_numbers = #tpu.dot_dimension_numbers<[1], [0], [0], [1], [0, 0, 1, 1], [], []>, transpose_lhs_hint = false} : vector<256x256xbf16>, vector<256x150xbf16>, vector<256x150xf32> -> vector<256x150xf32>
    %get3A_53 = arith.constant 0 : index
    %get3A_54 = arith.constant 0 : index
    %get3A_55 = vector.load %arg9[%get3A_53, %get3A_54] : memref<1x150xf32, #tpu.memory_space<vmem>>, vector<1x150xf32>
    %add3A_56 = vector.broadcast %get3A_55 : vector<1x150xf32> to vector<256x150xf32>
    %add3A_57 = arith.addf %dot_general3A_52, %add3A_56 : vector<256x150xf32>
    %swap3A_58 = arith.constant 0 : index
    %swap3A_59 = arith.constant 0 : index
    %swap3A_60 = vector.load %arg10[%swap3A_58, %swap3A_59] : memref<256x150xf32, #tpu.memory_space<vmem>>, vector<256x150xf32>
    tpu.vector_store %arg10[%swap3A_58, %swap3A_59], %add3A_57 {strides = array<i32>} : memref<256x150xf32, #tpu.memory_space<vmem>>, vector<256x150xf32>,
    %get3A_61 = arith.constant 0 : index
    %get3A_62 = arith.constant 0 : index
    %get3A_63 = vector.load %arg1[%get3A_61, %get3A_62] : memref<256x150xf32, #tpu.memory_space<vmem>>, vector<256x150xf32>
    %sub3A_64 = arith.subf %add3A_57, %get3A_63 : vector<256x150xf32>
    %mul3A_65 = arith.mulf %sub3A_64, %sub3A_64 : vector<256x150xf32>
    %reduce_sum3A_66 = vector.shape_cast %mul3A_65 : vector<256x150xf32> to vector<1x256x150xf32>
    %reduce_sum3A_67 = arith.constant dense<0.000000e+00> : vector<1xf32>
    %reduce_sum3A_68 = vector.multi_reduction <add>, %reduce_sum3A_66, %reduce_sum3A_67 [1, 2] : vector<1x256x150xf32> to vector<1xf32>
    %reduce_sum3A_69 = vector.shape_cast %reduce_sum3A_68 : vector<1xf32> to vector<1x1x1xf32>
    %reduce_sum3A_70 = vector.extract %reduce_sum3A_69[0, 0, 0] : f32 from vector<1x1x1xf32>
    %broadcast_in_dim3A_71 = vector.broadcast %reduce_sum3A_70 : f32 to vector<1x1x128xf32>
    %swap3A_72 = arith.constant 0 : index
    %swap3A_73 = arith.constant 0 : index
    %swap3A_74 = arith.constant 0 : index
    %swap3A_75 = vector.load %arg12[%swap3A_72, %swap3A_73, %swap3A_74] : memref<1x1x128xf32, #tpu.memory_space<vmem>>, vector<1x1x128xf32>
    tpu.vector_store %arg12[%swap3A_72, %swap3A_73, %swap3A_74], %broadcast_in_dim3A_71 {strides = array<i32>} : memref<1x1x128xf32, #tpu.memory_space<vmem>>, vector<1x1x128xf32>,
    return
  }
  func.func @transform_0(%arg0: i32) -> (i32, i32) {
    %c0_i32 = arith.constant 0 : i32
    %c0_i32_0 = arith.constant 0 : i32
    return %arg0, %c0_i32 : i32, i32
  }
  func.func @transform_1(%arg0: i32) -> (i32, i32) {
    %c0_i32 = arith.constant 0 : i32
    %c0_i32_0 = arith.constant 0 : i32
    return %arg0, %c0_i32 : i32, i32
  }
  func.func @transform_2(%arg0: i32) -> (i32, i32) {
    %c0_i32 = arith.constant 0 : i32
    %c0_i32_0 = arith.constant 0 : i32
    return %arg0, %c0_i32 : i32, i32
  }
  func.func @transform_3(%arg0: i32) -> (i32, i32) {
    %c0_i32 = arith.constant 0 : i32
    %c0_i32_0 = arith.constant 0 : i32
    %c0_i32_1 = arith.constant 0 : i32
    return %c0_i32, %c0_i32_0 : i32, i32
  }
  func.func @transform_4(%arg0: i32) -> (i32, i32) {
    %c0_i32 = arith.constant 0 : i32
    %c0_i32_0 = arith.constant 0 : i32
    %c0_i32_1 = arith.constant 0 : i32
    return %c0_i32, %c0_i32_0 : i32, i32
  }
  func.func @transform_5(%arg0: i32) -> (i32, i32) {
    %c0_i32 = arith.constant 0 : i32
    %c0_i32_0 = arith.constant 0 : i32
    %c0_i32_1 = arith.constant 0 : i32
    return %c0_i32, %c0_i32_0 : i32, i32
  }
  func.func @transform_6(%arg0: i32) -> (i32, i32) {
    %c0_i32 = arith.constant 0 : i32
    %c0_i32_0 = arith.constant 0 : i32
    %c0_i32_1 = arith.constant 0 : i32
    return %c0_i32, %c0_i32_0 : i32, i32
  }
  func.func @transform_7(%arg0: i32) -> (i32, i32) {
    %c0_i32 = arith.constant 0 : i32
    %c0_i32_0 = arith.constant 0 : i32
    %c0_i32_1 = arith.constant 0 : i32
    return %c0_i32, %c0_i32_0 : i32, i32
  }
  func.func @transform_8(%arg0: i32) -> (i32, i32) {
    %c0_i32 = arith.constant 0 : i32
    %c0_i32_0 = arith.constant 0 : i32
    %c0_i32_1 = arith.constant 0 : i32
    return %c0_i32, %c0_i32_0 : i32, i32
  }
  func.func @transform_9(%arg0: i32) -> (i32, i32) {
    %c0_i32 = arith.constant 0 : i32
    %c0_i32_0 = arith.constant 0 : i32
    return %arg0, %c0_i32 : i32, i32
  }
  func.func @transform_10(%arg0: i32) -> (i32, i32, i32) {
    %c0_i32 = arith.constant 0 : i32
    %c0_i32_0 = arith.constant 0 : i32
    %c0_i32_1 = arith.constant 0 : i32
    return %arg0, %c0_i32, %c0_i32_0 : i32, i32, i32
  }
  func.func @transform_11(%arg0: i32) -> (i32, i32, i32) {
    %c0_i32 = arith.constant 0 : i32
    %c0_i32_0 = arith.constant 0 : i32
    %c0_i32_1 = arith.constant 0 : i32
    return %arg0, %c0_i32, %c0_i32_0 : i32, i32, i32
  }
}

</mosaic_0001>

<sc_bundles>
// kernel: kernel.5.cloned.1.call-start
scs
__scs_entry_jumppad:
0x0: {  	(pc) =	sbr.rel $0x88, $3  }
0x1: {  	(tag) =	ssettag $0x0;
	lr =	simm.s32 $0x1  }
0x2: {  	[smem:$0x3F93] =	sst lr;
	_ =	strace $0xD0000000  }
0x3: {  	_ = 	snop  }
0x4: {  	_ = 	snop  }
0x5: {  	_ = 	snop  }
0x6: {  	_ = 	snop  }
0x7: {  	_ = 	snop  }
__scs_overlays_trampoline_lowered:
0x8: {  	[smem:$0x3FA2] =	sst s0  }
0x9: {  	[smem:$0x3FA3] =	sst s1  }
0xa: {  	[smem:$0x3FA4] =	sst s2  }
0xb: {  	[smem:$0x3FA5] =	sst s3  }
0xc: {  	[smem:$0x3FA6] =	sst s4  }
0xd: {  	[smem:$0x3FA7] =	sst s5  }
0xe: {  	[smem:$0x3FA8] =	sst s6  }
0xf: {  	[smem:$0x3FA9] =	sst s7  }
0x10: {  	[smem:$0x3FAA] =	sst s8  }
0x11: {  	[smem:$0x3FAB] =	sst s9;
	s0 =	simm.s32 @!p0 $0x0  }
0x12: {  	s1 =	sld [smem:$0x3F91];
	s0 =	simm.s32 @p0 $0x1  }
0x13: {  	[smem:$0x3FAC] =	sst s0;
	s0 =	simm.s32 @!p1 $0x0  }
0x14: {  	s2 =	sld [smem:$0x3F90];
	s0 =	simm.s32 @p1 $0x1  }
0x15: {  	[smem:$0x3FAD] =	sst s0;
	s0 =	simm.s32 @!p2 $0x0  }
0x16: {  	s3 =	sld [smem:$0x3FDB];
	s0 =	simm.s32 @p2 $0x1  }
0x17: {  	s4 =	simm.s32 $0x1BF5;
	[smem:$0x3FAF] =	sst s0  }
0x18: {  	s0 =	sld [smem:$0x3F92];
	_ =	swait.ge [sflag:s4], $0x0  }
0x19: {  	s7 =	sld [smem:$0x3F93]  }
0x1a: {  	s8 =	sadd.s32 $0xFFFFE003, lr  }
0x1b: {  	s9 =	sadd.s32 $0xFFFFFEF7, lr;
	s5 =	simm.s32 $0xFFFFFFFF;
	p2 =	slt.u32 s8, $0xFFFFF086  }
0x1c: {  	p1 =	slt.u32 s9, $0xF7A;
	s5 =	simm.s32 @!p2 $0x0  }
0x1d: {  	s5 =	simm.s32 @p1 $0x1;
	p0 =	seq.s32 s7, s2  }
0x1e: {  	s7 =	smul.u32 @!p0 $0xF7A, s2;
	p2 =	seq.s32 @!p0 s5, $0x0  }
0x1f: {  	s9 =	smul.u32 $0xF7A, s1;
	s8 =	simm.s32 @!p0 $0x1BF5;
	p2 =	por !p2, p0  }
0x20: {  	[sflag:s8] =	ssyncset.s32 @!p0 $0xFFFFF086;
	s6 =	sadd.s32 @!p0 s3, s7;
	s7 =	simm.s32 @!p0 $0x108  }
0x21: {  	s3 =	sadd.s32 s3, s9;
	s6 =	sadd.s32 @!p0 $0x88, s6;
	s7 =	simm.s32 @p2 $0x1082  }
0x22: {  	[simem:s7], [sflag:s8] =	dma.local @!p0 [hbm:s6], $0xF7A  }
0x23: {  	s9 =	sor.u32 $0xD0000000, s2;
	s6 =	simm.s32 $0x108;
	_ =	swait.ge @!p0 [sflag:s8], $0x0  }
0x24: {  	s3 =	sadd.s32 $0x88, s3;
	s6 =	simm.s32 @!p1 $0x1082;
	[sflag:s4] =	ssyncset.s32 $0xFFFFF086  }
0x25: {  	[simem:s6], [sflag:s4] =	dma.local [hbm:s3], $0xF7A  }
0x26: {  	[smem:$0x3F93] =	sst s1;
	(tag) =	ssettag s2;
	_ =	strace s9  }
0x27: {  	s1 =	sld [smem:$0x3FA3]  }
0x28: {  	s2 =	sld [smem:$0x3FA4]  }
0x29: {  	s4 =	sld [smem:$0x3FA6]  }
0x2a: {  	p0 =	seq.s32 s5, $0x0;
	s5 =	sld [smem:$0x3FA7]  }
0x2b: {  	s6 =	sld [smem:$0x3FA8]  }
0x2c: {  	s7 =	sld [smem:$0x3FA9]  }
0x2d: {  	s3 =	simm.s32 $0x108;
	s8 =	sld [smem:$0x3FAA]  }
0x2e: {  	s3 =	simm.s32 @!p0 $0x1082;
	s9 =	sld [smem:$0x3FAB]  }
0x2f: {  	lr =	sadd.s32 s0, s3;
	s0 =	sld [smem:$0x3FA2]  }
0x30: {  	s3 =	sld [smem:$0x3FA5]  }
0x31: {  	[smem:$0x3FAE] =	sst s10  }
0x32: {  	s10 =	sld [smem:$0x3FAC];
	_ =	sdelay $0x3  }
0x33: {  	p0 =	seq.s32 s10, $0x1;
	s10 =	sld [smem:$0x3FAE];
	_ =	sdelay $0x3  }
0x34: {  	[smem:$0x3FAE] =	sst s10  }
0x35: {  	s10 =	sld [smem:$0x3FAD];
	_ =	sdelay $0x3  }
0x36: {  	p1 =	seq.s32 s10, $0x1;
	s10 =	sld [smem:$0x3FAE];
	_ =	sdelay $0x3  }
0x37: {  	[smem:$0x3FAE] =	sst s10  }
0x38: {  	s10 =	sld [smem:$0x3FAF]  }
0x39: {  	_ = 	snop;
	(pc) =	sbr.ind lr, $3  }
0x3a: {  	_ = 	snop  }
0x3b: {  	_ = 	snop  }
0x3c: {  	p2 =	seq.s32 s10, $0x1;
	s10 =	sld [smem:$0x3FAE]  }
0x3d: {  	_ =	shalt  }
0x3e: {  	_ =	shalt  }
0x3f: {  	_ =	shalt  }
0x40: {  	_ =	shalt  }
0x41: {  	_ =	shalt  }
0x42: {  	_ =	shalt  }
0x43: {  	_ =	shalt  }
0x44: {  	_ =	shalt  }
0x45: {  	_ =	shalt  }
0x46: {  	_ =	shalt  }
0x47: {  	_ =	shalt  }
0x48: {  	_ =	shalt  }
0x49: {  	_ =	shalt  }
0x4a: {  	_ =	shalt  }
0x4b: {  	_ =	shalt  }
0x4c: {  	_ =	shalt  }
0x4d: {  	_ =	shalt  }
0x4e: {  	_ =	shalt  }
0x4f: {  	_ =	shalt  }
0x50: {  	_ =	shalt  }
0x51: {  	_ =	shalt  }
0x52: {  	_ =	shalt  }
0x53: {  	_ =	shalt  }
0x54: {  	_ =	shalt  }
0x55: {  	_ =	shalt  }
0x56: {  	_ =	shalt  }
0x57: {  	_ =	shalt  }
0x58: {  	_ =	shalt  }
0x59: {  	_ =	shalt  }
0x5a: {  	_ =	shalt  }
0x5b: {  	_ =	shalt  }
0x5c: {  	_ =	shalt  }
0x5d: {  	_ =	shalt  }
0x5e: {  	_ =	shalt  }
0x5f: {  	_ =	shalt  }
0x60: {  	_ =	shalt  }
0x61: {  	_ =	shalt  }
0x62: {  	_ =	shalt  }
0x63: {  	_ =	shalt  }
0x64: {  	_ =	shalt  }
0x65: {  	_ =	shalt  }
0x66: {  	_ =	shalt  }
0x67: {  	_ =	shalt  }
0x68: {  	_ =	shalt  }
0x69: {  	_ =	shalt  }
0x6a: {  	_ =	shalt  }
0x6b: {  	_ =	shalt  }
0x6c: {  	_ =	shalt  }
0x6d: {  	_ =	shalt  }
0x6e: {  	_ =	shalt  }
0x6f: {  	_ =	shalt  }
0x70: {  	_ =	shalt  }
0x71: {  	_ =	shalt  }
0x72: {  	_ =	shalt  }
0x73: {  	_ =	shalt  }
0x74: {  	_ =	shalt  }
0x75: {  	_ =	shalt  }
0x76: {  	_ =	shalt  }
0x77: {  	_ =	shalt  }
0x78: {  	_ =	shalt  }
0x79: {  	_ =	shalt  }
0x7a: {  	_ =	shalt  }
0x7b: {  	_ =	shalt  }
0x7c: {  	_ =	shalt  }
0x7d: {  	_ =	shalt  }
0x7e: {  	_ =	shalt  }
0x7f: {  	_ =	shalt  }
0x80: {  	_ =	shalt  }
0x81: {  	_ =	shalt  }
0x82: {  	_ =	shalt  }
0x83: {  	_ =	shalt  }
0x84: {  	_ =	shalt  }
0x85: {  	_ =	shalt  }
0x86: {  	_ =	shalt  }
0x87: {  	_ =	shalt  }
.Lfunc_end0:
.L_simem_size_0:
called_computation_lowered:
.L_overlay_start_0:
0x88: {  	s2 =	sld [smem:$0x3FD9]  }
0x89: {  	s3 =	sld [smem:$0x3FFE];
	_ =	sdelay $0x1  }
0x8a: {  	s1 =	srdreg.scid  }
0x8b: {  	s0 =	sand.u32 $0x1, s1  }
0x8c: {  	s14 =	sshll.u32 s0, $0xA;
	s2 =	sadd.s32 s3, s2  }
0x8d: {  	s2 =	sadd.s32 s2, s14  }
0x8e: {  	[smem:$0x3FBA] =	sst s2  }
0x8f: {  	_ = 	snop  }
0x90: {  	s2 =	sld [smem:$0x3FD0];
	_ =	sdelay $0x2  }
0x91: {  	s15 =	simm.s32 $0xA;
	s4 =	simm.s32 $0x10  }
0x92: {  	[smem:s4], [sflag:s15] =	dma.local [hbm:s2], $0x1  }
0x93: {  	_ =	swait.eq [sflag:s15], $0x1  }
0x94: {  	[sflag:s15] =	ssyncset.done $0x0  }
0x95: {  	[sflag:s15] =	ssyncadd.s32 $0xFFFFFFFF  }
0x96: {  	s16 =	sld [smem:$0x10];
	(tm) =	ssettm $0x1  }
0x97: {  	s17 =	sld [smem:$0x3FFB];
	_ =	sdelay $0x3  }
0x98: {  	_ =	strace s17  }
0x99: {  	s3 =	sld [smem:$0x3FFC];
	_ =	sdelay $0x3  }
0x9a: {  	_ =	strace s3  }
0x9b: {  	s3 =	sld [smem:$0x3FFD];
	_ =	sdelay $0x3  }
0x9c: {  	_ =	strace s3  }
0x9d: {  	_ =	strace $0x8FFFFFFF  }
0x9e: {  	s18 =	sld [smem:$0x3FDB];
	_ =	sdelay $0x1  }
0x9f: {  	s19 =	simm.s32 $_scs_section_size  }
0xa0: {  	s5 =	simm.s32 $_size__tile_overlayer_lowered;
	s6 =	simm.s32 $_tile_overlayer_lowered  }
0xa1: {  	s22 =	simm.s32 $0x1BFF;
	s21 =	sshll.u32 s6, $0x1;
	s3 =	sadd.s32 s19, s18  }
0xa2: {  	s7 =	simm.s32 $0x0;
	s20 =	sshll.u32 s5, $0x1;
	s5 =	sadd.s32 s21, s3  }
0xa3: {  	[timem:s7], [sflag:s22] =	dma.local [hbm:s5], s20  }
0xa4: {  	_ =	swait.ge [sflag:s22], s20  }
0xa5: {  	s4 =	ssub.s32 $0x0, s20;
	[sflag:s22] =	ssyncset.done $0x0  }
0xa6: {  	[sflag:s22] =	ssyncadd.s32 s4;
	_ =	sdelay $0x1  }
0xa7: {  	s23 =	simm.s32 $0x1B8B  }
0xa8: {  	_ =	swait.ge [sflag:s23], $0x1  }
0xa9: {  	[sflag:s23] =	ssyncset.done $0x0  }
0xaa: {  	s25 =	simm.s32 $0x1B8E;
	s24 =	sld [smem:$0x3FFE];
	[sflag:s23] =	ssyncadd.s32 $0xFFFFFFFF  }
0xab: {  	s26 =	simm.s32 $execute0_lowered;
	[smem:$0x3FD2] =	sst s25  }
0xac: {  	s5 =	sshll.u32 s26, $0x1;
	_ =	strace $0x80000046;
	[dreg:$0x1] =	wrdreg $0xFFFFFFFF  }
0xad: {  	s28 =	simm.s32 $_size_execute0_lowered;
	s3 =	sadd.s32 s3, s5;
	[dreg:$0x0] =	wrdreg $0x0  }
0xae: {  	s5 =	sshll.u32 s28, $0x1;
	[dreg:$0x2] =	wrdreg s3  }
0xaf: {  	[dreg:$0x3] =	wrdreg s5  }
0xb0: {  	[dreg:$0x4] =	wrdreg $0xC0  }
0xb1: {  	_ =	task [dreg:s7], $0x5FFFF  }
0xb2: {  	[dreg:$0x1] =	wrdreg $0xFFFFFFFF  }
0xb3: {  	[dreg:$0x0] =	wrdreg $0x60  }
0xb4: {  	[dreg:$0x2] =	wrdreg s24  }
0xb5: {  	[dreg:$0x3] =	wrdreg s16  }
0xb6: {  	[dreg:$0x4] =	wrdreg $0x9  }
0xb7: {  	_ =	task.clear_ibuf [dreg:s7], $0x5FFFF;
	_ =	strace $0x90000046  }
0xb8: {  	s29 =	simm.s32 $0x9;
	_ =	strace $0x80000048  }
0xb9: {  	_ =	swait.ge [sflag:s29], $0x1  }
0xba: {  	[sflag:s29] =	ssyncadd.s32 $0xFFFFFFFF  }
0xbb: {  	_ =	strace $0x90000048  }
0xbc: {  	_ =	sfence  }
0xbd: {  	s30 =	sld [smem:$0x0];
	_ =	sdelay $0x2  }
0xbe: {  	s31 =	sshll.u32 s1, $0xD;
	s1 =	sshrl.u32 s1, $0x2  }
0xbf: {  	s3 =	sand.u32 $0x4000, s31;
	s1 =	sadd.s32 s1, s30  }
0xc0: {  	s0 =	sor.u32 s3, s0;
	s1 =	sshll.u32 s1, $0x11  }
0xc1: {  	s0 =	sor.u32 s1, s0  }
0xc2: {  	s0 =	sadd.s32 $0x8F2B, s0  }
0xc3: {  	[sflag:s0] =	ssyncadd.remote.s32 $0x1  }
0xc4: {  	_ =	sfence.sel $0xFFFF  }
0xc5: {  	[dreg:$0x0] =	wrdreg $0xFFFFFFFF;
	(pc) =	sbr.abs _section_cstart, $3  }
0xc6: {  	[dreg:$0x1] =	wrdreg $0xFFFFFFFF  }
0xc7: {  	_ =	task.clear_ibuf [dreg:s7], $0x2FFFF;
	_ =	strace $0x9FFFFFFF  }
0xc8: {  	(tm) =	ssettm $0x7FFFFFFF  }
0xc9: {  	_ =	shalt  }
tec
execute0_lowered:
.L_overlay_start_1:
0x0: {  	(tag) =	ssettag $0x1  }
0x1: {  	s1 =	srdreg.scid  }
0x2: {  	s8 =	rddreg [dreg:$0x0];
	s0 =	stileid.u32  }
0x3: {  	s3 =	rddreg [dreg:$0x1];
	s2 =	simm.s32 $0x0;
	s6 =	sand.u32 $0x1, s1  }
0x4: {  	s4 =	sshll.u32 s0, $0xA;
	s1 =	rddreg [dreg:$0x2];
	s5 =	sshll.u32 s6, $0x9  }
0x5: {  	s7 =	simm.s32 $0x1;
	[smem:$0x7FF] =	sst s2;
	s9 =	sor.u32 s5, s4  }
0x6: {  	_ =	strace $0x80000047;
	s10 =	ssub.s32 $0x2, s6;
	s4 =	sshrl.u32 s9, $0x3  }
0x7: {  	s6 =	simm.s32 $0x200;
	s4 =	sadd.s32 s3, s4;
	s3 =	simm.s32 $0x2  }
0x8: {  	[tilespmem:s2], [sflag:$0x2] =	stream.linear.gather [hbm4b:s4+s2], $0x200, $0x38;
	[tilespmem:$0x10200] =	vst v63  }
0x9: {  	s5 =	sadd.s32 $0x1A00, s8;
	s11 =	sshrl.u32 s10, $0x1;
	_ =	swait.ge [sflag:s3], $0x200  }
0xa: {  	s9 =	sshll.u32 s9, $0x4;
	s31 =	ssub.s32 s10, s11;
	[sflag:s3] =	ssyncset.done $0x0  }
0xb: {  	s8 =	sadd.s32 s9, s8;
	s9 =	smax.u32 s31, $0x1;
	[sflag:s3] =	ssyncadd.s32 $0xFFFFFE00  }
0xc: {  	[tilespmem:s6], [sflag:$0x1] =	stream.indirect.gather [hbm4b:s5+s6], $0x80, s2, s6, $0xb8;
	[tilespmem:$0x10200] =	vst v63  }
0xd: {  	p0 =	sne.s32 s9, $0x1;
	_ =	swait.ge [sflag:s7], $0x10000  }
.Ltmp0:
0xe: {  	[sflag:s7] =	ssyncset.done $0x0;
	(pc) =	sbr.rel @!p0 .LBB2_2-.Ltmp0, $4  }
0xf: {  	s8 =	sadd.s32 $0x21A00, s8;
	[sflag:s7] =	ssyncadd.s32 $0xFFFF0000  }
0x10: {  	[hbm4b:s8+s2] =	stream.linear.scatter [tilespmem:s6], [sflag:$0x2], $0x10000, $0x38;
	[tilespmem:$0x10200] =	vst v63  }
0x11: {  	_ =	swait.ge [sflag:s3], $0x10000  }
0x12: {  	s9 =	sadd.s32 $0xFFFFFFFF, s9;
	[sflag:s3] =	ssyncset.done $0x0  }
.LBB2_1:
0x13: {  	p0 =	sne.s32 s9, $0x1;
	s9 =	sadd.s32 $0xFFFFFFFF, s9;
	[sflag:s3] =	ssyncadd.s32 $0xFFFF0000  }
0x14: {  	[tilespmem:s2], [sflag:$0x2] =	stream.linear.gather [hbm4b:s4+s2], $0x200, $0x38;
	[tilespmem:$0x10200] =	vst v63  }
0x15: {  	_ =	swait.ge [sflag:s3], $0x200  }
0x16: {  	[sflag:s3] =	ssyncset.done $0x0  }
0x17: {  	[sflag:s3] =	ssyncadd.s32 $0xFFFFFE00  }
0x18: {  	[tilespmem:s6], [sflag:$0x1] =	stream.indirect.gather [hbm4b:s5+s6], $0x80, s2, s6, $0xb8;
	[tilespmem:$0x10200] =	vst v63  }
0x19: {  	_ =	swait.ge [sflag:s7], $0x10000  }
.Ltmp1:
0x1a: {  	[sflag:s7] =	ssyncset.done $0x0;
	(pc) =	sbr.rel @p0 .LBB2_1-.Ltmp1, $4  }
0x1b: {  	[sflag:s7] =	ssyncadd.s32 $0xFFFF0000  }
0x1c: {  	[hbm4b:s8+s2] =	stream.linear.scatter [tilespmem:s6], [sflag:$0x2], $0x10000, $0x38;
	[tilespmem:$0x10200] =	vst v63  }
0x1d: {  	_ =	swait.ge [sflag:s3], $0x10000  }
0x1e: {  	[sflag:s3] =	ssyncset.done $0x0  }
.LBB2_2:
0x1f: {  	[sflag:s3] =	ssyncadd.s32 $0xFFFF0000  }
0x20: {  	_ =	sfence.sel $0x180000  }
0x21: {  	[bflag:$0x0] =	sbarrier.arrive $0xFFFF  }
0x22: {  	p0 =	sne.s32 s0, $0x0;
	_ =	strace $0x90000047  }
0x23: {  	s0 =	sadd.s32 @!p0 $0x100000, s1;
	[bflag:$0x2] =	sbarrier.arrive $0xFFFF  }
0x24: {  	[sflag:s0] =	ssyncadd.tile.s32 @!p0 $0x1;
	_ =	shalt  }
.Lfunc_end2:
_tile_overlayer_lowered:
.L_overlay_start_2:
0x25: {  	(tag) =	ssettag $0x2  }
0x26: {  	s0 =	rddreg [dreg:$0x0];
	s2 =	stileid.u32  }
0x27: {  	s1 =	rddreg [dreg:$0x1];
	p0 =	sne.s32 s2, $0x0  }
0x28: {  	s3 =	rddreg [dreg:$0x2];
	[bflag:$0x3] =	sbarrier.arrive $0xFFFF;
	s2 =	simm.s32 @!p0 $0x1C02  }
0x29: {  	[timem:s3], [sflag:s2] =	dma.local @!p0 [hbm:s0], s1  }
0x2a: {  	s0 =	simm.s32 @!p0 $0x2  }
0x2b: {  	_ =	swait.ge @!p0 [sflag:s0], s1  }
0x2c: {  	s1 =	ssub.s32 @!p0 $0x0, s1;
	[sflag:s0] =	ssyncset.done @!p0 $0x0  }
0x2d: {  	[sflag:s0] =	ssyncadd.s32 @!p0 s1  }
0x2e: {  	[bflag:$0x3] =	sbarrier.arrive $0xFFFF  }
0x2f: {  	_ =	shalt  }

</sc_bundles>
